<compile_context>
chip_gen: v7x
topology: tpu7x:2x2x1
jax: 0.10.2.dev20260603
libtpu: 0.0.44.dev20260713+nightly
codegen_flags: <defaults>
</compile_context>

<pallas_src>
import functools

import jax
import jax.numpy as jnp
from jax import lax
from jax.experimental import pallas as pl
from jax.experimental.pallas import tpu as pltpu
from jax.experimental.pallas import tpu_sc as plsc

VOCAB = 1000000
D = 64
T = 16384
SCALE = 8.0

_INFO = plsc.get_sparse_core_info()
NC = _INFO.num_cores
NS = _INFO.num_subcores
NW = NC * NS
NT = T // NW
CHUNK = 128
N_CHUNKS = NT // CHUNK

_mesh = plsc.VectorSubcoreMesh(core_axis_name="c", subcore_axis_name="s")


@functools.partial(
    pl.kernel,
    mesh=_mesh,
    out_type=jax.ShapeDtypeStruct((T, D), jnp.float32),
    scratch_types=[
        pltpu.VMEM((NT,), jnp.int32),
        pltpu.VMEM((NT, D), jnp.float32),
        pltpu.SemaphoreType.DMA,
    ],
    compiler_params=pltpu.CompilerParams(use_tc_tiling_on_sc=False),
)
def _embed(table_hbm, idx_hbm, out_hbm, idx_v, rows_v, sem):
    wid = lax.axis_index("s") * NC + lax.axis_index("c")
    tbase = wid * NT

    pltpu.sync_copy(idx_hbm.at[pl.ds(tbase, NT)], idx_v)

    copies = []
    for j in range(N_CHUNKS):
        copies.append(
            pltpu.async_copy(
                table_hbm.at[idx_v.at[pl.ds(j * CHUNK, CHUNK)]],
                rows_v.at[pl.ds(j * CHUNK, CHUNK)],
                sem,
            )
        )
    for c in copies:
        c.wait()

    def row_body(r, carry):
        for c in range(D // 16):
            sl = pl.ds(c * 16, 16)
            rows_v[r, sl] = rows_v[r, sl] * SCALE
        return carry

    lax.fori_loop(0, NT, row_body, 0, unroll=4)

    pltpu.sync_copy(rows_v, out_hbm.at[pl.ds(tbase, NT)])


def kernel(x, input_embedding_table_VD):
    return _embed(input_embedding_table_VD, x.astype(jnp.int32))

# --- scband reference (transcript-rebuilt; emitter-appended) ---
"""Pipeline reference for scband-embedder-24043226923093 (READ-ONLY COPY).

The authoritative reference and input builder live on the scoring server;
editing this copy changes nothing except your own understanding.
"""

import jax, jax.numpy as jnp
import numpy as np

VOCAB = 1000000
D = 64
T = 16384
NORMALIZE = True

def setup_inputs(seed: int = 0) -> dict:
    key = jax.random.key(seed)
    k1, k2 = jax.random.split(key)
    input_embedding_table_VD = jax.random.normal(k1, (VOCAB, D), dtype=jnp.float32) * 0.02
    x = jax.random.randint(k2, (T,), 0, VOCAB, dtype=jnp.int64 if jax.config.read('jax_enable_x64') else jnp.int32)
    return {"x": x, "input_embedding_table_VD": input_embedding_table_VD}

def reference(x, input_embedding_table_VD):
    # Embedder.encode: gather rows of the embedding table, then optional sqrt(D) scaling
    embedding_TD = jnp.take(input_embedding_table_VD, x, axis=0)
    if NORMALIZE:
        embedding_TD = embedding_TD * jnp.sqrt(jnp.float32(D)).astype(jnp.float32)
    return embedding_TD

if __name__ == "__main__":
    import jax
    _d = setup_inputs()
    print(jax.jit(kernel)(*tuple(_d.values())))

</pallas_src>

<mosaic_0001>
#map = affine_map<(d0, d1) -> (0, 0)>
#map1 = affine_map<(d0, d1) -> (0)>
module attributes {stable_mosaic.version = 14 : i64} {
  func.func @_embed(%arg0: i32, %arg1: i32, %arg2: memref<1000000x64xf32, #tpu.memory_space<hbm>>, %arg3: memref<16384xi32, #tpu.memory_space<hbm>>, %arg4: memref<16384x64xf32, #tpu.memory_space<hbm>>, %arg5: memref<512xi32, #tpu.memory_space<vmem>>, %arg6: memref<512x64xf32, #tpu.memory_space<vmem>>, %arg7: memref<!tpu.dma_semaphore, #tpu.memory_space<semaphore_mem>>) attributes {dimension_semantics = [#tpu.dimension_semantics<core_parallel>, #tpu.dimension_semantics<subcore_parallel>], iteration_bounds = array<i64: 2, 16>, scalar_prefetch = 0 : i64, scratch_operands = 3 : i64, tpu.core_type = #tpu.core_type<sc_vector_subcore>, window_params = [{transform_indices = #map}, {transform_indices = #map1}, {transform_indices = #map}]} {
    %mul3A = arith.constant 2 : i32
    %mul3A_0 = arith.muli %arg1, %mul3A : i32
    %add3A = arith.addi %mul3A_0, %arg0 : i32
    %mul3A_1 = arith.constant 512 : i32
    %mul3A_2 = arith.muli %add3A, %mul3A_1 : i32
    "tpu.region"() ({
      %run_scoped3A = tpu.sem_alloc : memref<!tpu.dma_semaphore, #tpu.memory_space<semaphore_mem>>
      %dma_start3A_70 = tpu.memref_slice %arg3[%mul3A_2] : memref<16384xi32, #tpu.memory_space<hbm>> -> memref<512xi32, #tpu.memory_space<hbm>>
      %dma_start3A_71 = tpu.memref_slice %arg3[%mul3A_2] : memref<16384xi32, #tpu.memory_space<hbm>> -> memref<512xi32, #tpu.memory_space<hbm>>
      tpu.enqueue_dma source(%dma_start3A_71 : memref<512xi32, #tpu.memory_space<hbm>>) target(%arg5 : memref<512xi32, #tpu.memory_space<vmem>>) target_semaphore(%run_scoped3A : memref<!tpu.dma_semaphore, #tpu.memory_space<semaphore_mem>>)
      %dma_wait3A_72 = tpu.memref_slice %arg3[%mul3A_2] : memref<16384xi32, #tpu.memory_space<hbm>> -> memref<512xi32, #tpu.memory_space<hbm>>
      %dma_wait3A_73 = tpu.memref_slice %arg3[%mul3A_2] : memref<16384xi32, #tpu.memory_space<hbm>> -> memref<512xi32, #tpu.memory_space<hbm>>
      tpu.wait_dma2 semaphore(%run_scoped3A : memref<!tpu.dma_semaphore, #tpu.memory_space<semaphore_mem>>) src(%dma_wait3A_73 : memref<512xi32, #tpu.memory_space<hbm>>) dst(%arg5 : memref<512xi32, #tpu.memory_space<vmem>>)
      tpu.yield
    }) : () -> ()
    %dma_start3A = arith.constant 0 : i32
    %dma_start3A_3 = arith.constant 0 : i32
    %dma_start3A_4 = tpu.memref_slice %arg6[%dma_start3A, %dma_start3A_3] : memref<512x64xf32, #tpu.memory_space<vmem>> -> memref<128x64xf32, #tpu.memory_space<vmem>>
    %dma_start3A_5 = arith.constant 0 : i32
    %dma_start3A_6 = tpu.memref_slice %arg5[%dma_start3A_5] : memref<512xi32, #tpu.memory_space<vmem>> -> memref<128xi32, #tpu.memory_space<vmem>>
    %dma_start3A_7 = arith.constant 0 : i32
    %dma_start3A_8 = arith.constant 0 : i32
    %dma_start3A_9 = tpu.memref_slice %arg2[%dma_start3A_7, %dma_start3A_8] : memref<1000000x64xf32, #tpu.memory_space<hbm>> -> memref<1000000x64xf32, #tpu.memory_space<hbm>>
    tpu.enqueue_indirect_dma source(%dma_start3A_9 : memref<1000000x64xf32, #tpu.memory_space<hbm>>) target(%dma_start3A_4 : memref<128x64xf32, #tpu.memory_space<vmem>>) offsets(%dma_start3A_6 : memref<128xi32, #tpu.memory_space<vmem>>) semaphore(%arg7 : memref<!tpu.dma_semaphore, #tpu.memory_space<semaphore_mem>>)
    %dma_start3A_10 = arith.constant 128 : i32
    %dma_start3A_11 = arith.constant 0 : i32
    %dma_start3A_12 = tpu.memref_slice %arg6[%dma_start3A_10, %dma_start3A_11] : memref<512x64xf32, #tpu.memory_space<vmem>> -> memref<128x64xf32, #tpu.memory_space<vmem>>
    %dma_start3A_13 = arith.constant 128 : i32
    %dma_start3A_14 = tpu.memref_slice %arg5[%dma_start3A_13] : memref<512xi32, #tpu.memory_space<vmem>> -> memref<128xi32, #tpu.memory_space<vmem>>
    %dma_start3A_15 = arith.constant 0 : i32
    %dma_start3A_16 = arith.constant 0 : i32
    %dma_start3A_17 = tpu.memref_slice %arg2[%dma_start3A_15, %dma_start3A_16] : memref<1000000x64xf32, #tpu.memory_space<hbm>> -> memref<1000000x64xf32, #tpu.memory_space<hbm>>
    tpu.enqueue_indirect_dma source(%dma_start3A_17 : memref<1000000x64xf32, #tpu.memory_space<hbm>>) target(%dma_start3A_12 : memref<128x64xf32, #tpu.memory_space<vmem>>) offsets(%dma_start3A_14 : memref<128xi32, #tpu.memory_space<vmem>>) semaphore(%arg7 : memref<!tpu.dma_semaphore, #tpu.memory_space<semaphore_mem>>)
    %dma_start3A_18 = arith.constant 256 : i32
    %dma_start3A_19 = arith.constant 0 : i32
    %dma_start3A_20 = tpu.memref_slice %arg6[%dma_start3A_18, %dma_start3A_19] : memref<512x64xf32, #tpu.memory_space<vmem>> -> memref<128x64xf32, #tpu.memory_space<vmem>>
    %dma_start3A_21 = arith.constant 256 : i32
    %dma_start3A_22 = tpu.memref_slice %arg5[%dma_start3A_21] : memref<512xi32, #tpu.memory_space<vmem>> -> memref<128xi32, #tpu.memory_space<vmem>>
    %dma_start3A_23 = arith.constant 0 : i32
    %dma_start3A_24 = arith.constant 0 : i32
    %dma_start3A_25 = tpu.memref_slice %arg2[%dma_start3A_23, %dma_start3A_24] : memref<1000000x64xf32, #tpu.memory_space<hbm>> -> memref<1000000x64xf32, #tpu.memory_space<hbm>>
    tpu.enqueue_indirect_dma source(%dma_start3A_25 : memref<1000000x64xf32, #tpu.memory_space<hbm>>) target(%dma_start3A_20 : memref<128x64xf32, #tpu.memory_space<vmem>>) offsets(%dma_start3A_22 : memref<128xi32, #tpu.memory_space<vmem>>) semaphore(%arg7 : memref<!tpu.dma_semaphore, #tpu.memory_space<semaphore_mem>>)
    %dma_start3A_26 = arith.constant 384 : i32
    %dma_start3A_27 = arith.constant 0 : i32
    %dma_start3A_28 = tpu.memref_slice %arg6[%dma_start3A_26, %dma_start3A_27] : memref<512x64xf32, #tpu.memory_space<vmem>> -> memref<128x64xf32, #tpu.memory_space<vmem>>
    %dma_start3A_29 = arith.constant 384 : i32
    %dma_start3A_30 = tpu.memref_slice %arg5[%dma_start3A_29] : memref<512xi32, #tpu.memory_space<vmem>> -> memref<128xi32, #tpu.memory_space<vmem>>
    %dma_start3A_31 = arith.constant 0 : i32
    %dma_start3A_32 = arith.constant 0 : i32
    %dma_start3A_33 = tpu.memref_slice %arg2[%dma_start3A_31, %dma_start3A_32] : memref<1000000x64xf32, #tpu.memory_space<hbm>> -> memref<1000000x64xf32, #tpu.memory_space<hbm>>
    tpu.enqueue_indirect_dma source(%dma_start3A_33 : memref<1000000x64xf32, #tpu.memory_space<hbm>>) target(%dma_start3A_28 : memref<128x64xf32, #tpu.memory_space<vmem>>) offsets(%dma_start3A_30 : memref<128xi32, #tpu.memory_space<vmem>>) semaphore(%arg7 : memref<!tpu.dma_semaphore, #tpu.memory_space<semaphore_mem>>)
    %dma_wait3A = arith.constant 0 : i32
    %dma_wait3A_34 = arith.constant 0 : i32
    %dma_wait3A_35 = tpu.memref_slice %arg6[%dma_wait3A, %dma_wait3A_34] : memref<512x64xf32, #tpu.memory_space<vmem>> -> memref<128x64xf32, #tpu.memory_space<vmem>>
    %dma_wait3A_36 = arith.constant 0 : i32
    %dma_wait3A_37 = tpu.memref_slice %arg5[%dma_wait3A_36] : memref<512xi32, #tpu.memory_space<vmem>> -> memref<128xi32, #tpu.memory_space<vmem>>
    %dma_wait3A_38 = arith.constant 0 : i32
    %dma_wait3A_39 = arith.constant 0 : i32
    %dma_wait3A_40 = tpu.memref_slice %arg2[%dma_wait3A_38, %dma_wait3A_39] : memref<1000000x64xf32, #tpu.memory_space<hbm>> -> memref<1000000x64xf32, #tpu.memory_space<hbm>>
    tpu.wait_indirect_dma semaphore(%arg7 : memref<!tpu.dma_semaphore, #tpu.memory_space<semaphore_mem>>) src(%dma_wait3A_40 : memref<1000000x64xf32, #tpu.memory_space<hbm>>) dst(%dma_wait3A_35 : memref<128x64xf32, #tpu.memory_space<vmem>>)
    %dma_wait3A_41 = arith.constant 128 : i32
    %dma_wait3A_42 = arith.constant 0 : i32
    %dma_wait3A_43 = tpu.memref_slice %arg6[%dma_wait3A_41, %dma_wait3A_42] : memref<512x64xf32, #tpu.memory_space<vmem>> -> memref<128x64xf32, #tpu.memory_space<vmem>>
    %dma_wait3A_44 = arith.constant 128 : i32
    %dma_wait3A_45 = tpu.memref_slice %arg5[%dma_wait3A_44] : memref<512xi32, #tpu.memory_space<vmem>> -> memref<128xi32, #tpu.memory_space<vmem>>
    %dma_wait3A_46 = arith.constant 0 : i32
    %dma_wait3A_47 = arith.constant 0 : i32
    %dma_wait3A_48 = tpu.memref_slice %arg2[%dma_wait3A_46, %dma_wait3A_47] : memref<1000000x64xf32, #tpu.memory_space<hbm>> -> memref<1000000x64xf32, #tpu.memory_space<hbm>>
    tpu.wait_indirect_dma semaphore(%arg7 : memref<!tpu.dma_semaphore, #tpu.memory_space<semaphore_mem>>) src(%dma_wait3A_48 : memref<1000000x64xf32, #tpu.memory_space<hbm>>) dst(%dma_wait3A_43 : memref<128x64xf32, #tpu.memory_space<vmem>>)
    %dma_wait3A_49 = arith.constant 256 : i32
    %dma_wait3A_50 = arith.constant 0 : i32
    %dma_wait3A_51 = tpu.memref_slice %arg6[%dma_wait3A_49, %dma_wait3A_50] : memref<512x64xf32, #tpu.memory_space<vmem>> -> memref<128x64xf32, #tpu.memory_space<vmem>>
    %dma_wait3A_52 = arith.constant 256 : i32
    %dma_wait3A_53 = tpu.memref_slice %arg5[%dma_wait3A_52] : memref<512xi32, #tpu.memory_space<vmem>> -> memref<128xi32, #tpu.memory_space<vmem>>
    %dma_wait3A_54 = arith.constant 0 : i32
    %dma_wait3A_55 = arith.constant 0 : i32
    %dma_wait3A_56 = tpu.memref_slice %arg2[%dma_wait3A_54, %dma_wait3A_55] : memref<1000000x64xf32, #tpu.memory_space<hbm>> -> memref<1000000x64xf32, #tpu.memory_space<hbm>>
    tpu.wait_indirect_dma semaphore(%arg7 : memref<!tpu.dma_semaphore, #tpu.memory_space<semaphore_mem>>) src(%dma_wait3A_56 : memref<1000000x64xf32, #tpu.memory_space<hbm>>) dst(%dma_wait3A_51 : memref<128x64xf32, #tpu.memory_space<vmem>>)
    %dma_wait3A_57 = arith.constant 384 : i32
    %dma_wait3A_58 = arith.constant 0 : i32
    %dma_wait3A_59 = tpu.memref_slice %arg6[%dma_wait3A_57, %dma_wait3A_58] : memref<512x64xf32, #tpu.memory_space<vmem>> -> memref<128x64xf32, #tpu.memory_space<vmem>>
    %dma_wait3A_60 = arith.constant 384 : i32
    %dma_wait3A_61 = tpu.memref_slice %arg5[%dma_wait3A_60] : memref<512xi32, #tpu.memory_space<vmem>> -> memref<128xi32, #tpu.memory_space<vmem>>
    %dma_wait3A_62 = arith.constant 0 : i32
    %dma_wait3A_63 = arith.constant 0 : i32
    %dma_wait3A_64 = tpu.memref_slice %arg2[%dma_wait3A_62, %dma_wait3A_63] : memref<1000000x64xf32, #tpu.memory_space<hbm>> -> memref<1000000x64xf32, #tpu.memory_space<hbm>>
    tpu.wait_indirect_dma semaphore(%arg7 : memref<!tpu.dma_semaphore, #tpu.memory_space<semaphore_mem>>) src(%dma_wait3A_64 : memref<1000000x64xf32, #tpu.memory_space<hbm>>) dst(%dma_wait3A_59 : memref<128x64xf32, #tpu.memory_space<vmem>>)
    %scan3A = arith.constant 0 : i32
    %scan3A_65 = arith.constant 0 : i32
    %scan3A_66 = arith.constant 512 : i32
    %scan3A_67 = arith.addi %scan3A_65, %scan3A_66 : i32
    %scan3A_68 = arith.constant 4 : i32
    scf.for %scan3A_70 = %scan3A_65 to %scan3A_67 step %scan3A_68  : i32 {
      %get3A = arith.index_cast %scan3A_70 : i32 to index
      %get3A_71 = arith.constant 0 : index
      %get3A_72 = tpu.vector_load %arg6[%get3A, %get3A_71] {strides = array<i32>} : memref<512x64xf32, #tpu.memory_space<vmem>>, vector<1x16xf32>,
      %get3A_73 = vector.shape_cast %get3A_72 : vector<1x16xf32> to vector<16xf32>
      %mul3A_74 = arith.constant 8.000000e+00 : f32
      %mul3A_75 = vector.broadcast %mul3A_74 : f32 to vector<16xf32>
      %mul3A_76 = arith.mulf %get3A_73, %mul3A_75 : vector<16xf32>
      %swap3A = arith.index_cast %scan3A_70 : i32 to index
      %swap3A_77 = arith.constant 0 : index
      %swap3A_78 = tpu.vector_load %arg6[%swap3A, %swap3A_77] {strides = array<i32>} : memref<512x64xf32, #tpu.memory_space<vmem>>, vector<1x16xf32>,
      %swap3A_79 = vector.shape_cast %swap3A_78 : vector<1x16xf32> to vector<16xf32>
      %swap3A_80 = vector.shape_cast %mul3A_76 : vector<16xf32> to vector<1x16xf32>
      tpu.vector_store %arg6[%swap3A, %swap3A_77], %swap3A_80 {strides = array<i32>} : memref<512x64xf32, #tpu.memory_space<vmem>>, vector<1x16xf32>,
      %get3A_81 = arith.index_cast %scan3A_70 : i32 to index
      %get3A_82 = arith.constant 16 : index
      %get3A_83 = tpu.vector_load %arg6[%get3A_81, %get3A_82] {strides = array<i32>} : memref<512x64xf32, #tpu.memory_space<vmem>>, vector<1x16xf32>,
      %get3A_84 = vector.shape_cast %get3A_83 : vector<1x16xf32> to vector<16xf32>
      %mul3A_85 = arith.constant 8.000000e+00 : f32
      %mul3A_86 = vector.broadcast %mul3A_85 : f32 to vector<16xf32>
      %mul3A_87 = arith.mulf %get3A_84, %mul3A_86 : vector<16xf32>
      %swap3A_88 = arith.index_cast %scan3A_70 : i32 to index
      %swap3A_89 = arith.constant 16 : index
      %swap3A_90 = tpu.vector_load %arg6[%swap3A_88, %swap3A_89] {strides = array<i32>} : memref<512x64xf32, #tpu.memory_space<vmem>>, vector<1x16xf32>,
      %swap3A_91 = vector.shape_cast %swap3A_90 : vector<1x16xf32> to vector<16xf32>
      %swap3A_92 = vector.shape_cast %mul3A_87 : vector<16xf32> to vector<1x16xf32>
      tpu.vector_store %arg6[%swap3A_88, %swap3A_89], %swap3A_92 {strides = array<i32>} : memref<512x64xf32, #tpu.memory_space<vmem>>, vector<1x16xf32>,
      %get3A_93 = arith.index_cast %scan3A_70 : i32 to index
      %get3A_94 = arith.constant 32 : index
      %get3A_95 = tpu.vector_load %arg6[%get3A_93, %get3A_94] {strides = array<i32>} : memref<512x64xf32, #tpu.memory_space<vmem>>, vector<1x16xf32>,
      %get3A_96 = vector.shape_cast %get3A_95 : vector<1x16xf32> to vector<16xf32>
      %mul3A_97 = arith.constant 8.000000e+00 : f32
      %mul3A_98 = vector.broadcast %mul3A_97 : f32 to vector<16xf32>
      %mul3A_99 = arith.mulf %get3A_96, %mul3A_98 : vector<16xf32>
      %swap3A_100 = arith.index_cast %scan3A_70 : i32 to index
      %swap3A_101 = arith.constant 32 : index
      %swap3A_102 = tpu.vector_load %arg6[%swap3A_100, %swap3A_101] {strides = array<i32>} : memref<512x64xf32, #tpu.memory_space<vmem>>, vector<1x16xf32>,
      %swap3A_103 = vector.shape_cast %swap3A_102 : vector<1x16xf32> to vector<16xf32>
      %swap3A_104 = vector.shape_cast %mul3A_99 : vector<16xf32> to vector<1x16xf32>
      tpu.vector_store %arg6[%swap3A_100, %swap3A_101], %swap3A_104 {strides = array<i32>} : memref<512x64xf32, #tpu.memory_space<vmem>>, vector<1x16xf32>,
      %get3A_105 = arith.index_cast %scan3A_70 : i32 to index
      %get3A_106 = arith.constant 48 : index
      %get3A_107 = tpu.vector_load %arg6[%get3A_105, %get3A_106] {strides = array<i32>} : memref<512x64xf32, #tpu.memory_space<vmem>>, vector<1x16xf32>,
      %get3A_108 = vector.shape_cast %get3A_107 : vector<1x16xf32> to vector<16xf32>
      %mul3A_109 = arith.constant 8.000000e+00 : f32
      %mul3A_110 = vector.broadcast %mul3A_109 : f32 to vector<16xf32>
      %mul3A_111 = arith.mulf %get3A_108, %mul3A_110 : vector<16xf32>
      %swap3A_112 = arith.index_cast %scan3A_70 : i32 to index
      %swap3A_113 = arith.constant 48 : index
      %swap3A_114 = tpu.vector_load %arg6[%swap3A_112, %swap3A_113] {strides = array<i32>} : memref<512x64xf32, #tpu.memory_space<vmem>>, vector<1x16xf32>,
      %swap3A_115 = vector.shape_cast %swap3A_114 : vector<1x16xf32> to vector<16xf32>
      %swap3A_116 = vector.shape_cast %mul3A_111 : vector<16xf32> to vector<1x16xf32>
      tpu.vector_store %arg6[%swap3A_112, %swap3A_113], %swap3A_116 {strides = array<i32>} : memref<512x64xf32, #tpu.memory_space<vmem>>, vector<1x16xf32>,
      %scan3A_117 = arith.constant 1 : i32
      %scan3A_118 = arith.addi %scan3A_70, %scan3A_117 : i32
      %get3A_119 = arith.index_cast %scan3A_118 : i32 to index
      %get3A_120 = arith.constant 0 : index
      %get3A_121 = tpu.vector_load %arg6[%get3A_119, %get3A_120] {strides = array<i32>} : memref<512x64xf32, #tpu.memory_space<vmem>>, vector<1x16xf32>,
      %get3A_122 = vector.shape_cast %get3A_121 : vector<1x16xf32> to vector<16xf32>
      %mul3A_123 = arith.constant 8.000000e+00 : f32
      %mul3A_124 = vector.broadcast %mul3A_123 : f32 to vector<16xf32>
      %mul3A_125 = arith.mulf %get3A_122, %mul3A_124 : vector<16xf32>
      %swap3A_126 = arith.index_cast %scan3A_118 : i32 to index
      %swap3A_127 = arith.constant 0 : index
      %swap3A_128 = tpu.vector_load %arg6[%swap3A_126, %swap3A_127] {strides = array<i32>} : memref<512x64xf32, #tpu.memory_space<vmem>>, vector<1x16xf32>,
      %swap3A_129 = vector.shape_cast %swap3A_128 : vector<1x16xf32> to vector<16xf32>
      %swap3A_130 = vector.shape_cast %mul3A_125 : vector<16xf32> to vector<1x16xf32>
      tpu.vector_store %arg6[%swap3A_126, %swap3A_127], %swap3A_130 {strides = array<i32>} : memref<512x64xf32, #tpu.memory_space<vmem>>, vector<1x16xf32>,
      %get3A_131 = arith.index_cast %scan3A_118 : i32 to index
      %get3A_132 = arith.constant 16 : index
      %get3A_133 = tpu.vector_load %arg6[%get3A_131, %get3A_132] {strides = array<i32>} : memref<512x64xf32, #tpu.memory_space<vmem>>, vector<1x16xf32>,
      %get3A_134 = vector.shape_cast %get3A_133 : vector<1x16xf32> to vector<16xf32>
      %mul3A_135 = arith.constant 8.000000e+00 : f32
      %mul3A_136 = vector.broadcast %mul3A_135 : f32 to vector<16xf32>
      %mul3A_137 = arith.mulf %get3A_134, %mul3A_136 : vector<16xf32>
      %swap3A_138 = arith.index_cast %scan3A_118 : i32 to index
      %swap3A_139 = arith.constant 16 : index
      %swap3A_140 = tpu.vector_load %arg6[%swap3A_138, %swap3A_139] {strides = array<i32>} : memref<512x64xf32, #tpu.memory_space<vmem>>, vector<1x16xf32>,
      %swap3A_141 = vector.shape_cast %swap3A_140 : vector<1x16xf32> to vector<16xf32>
      %swap3A_142 = vector.shape_cast %mul3A_137 : vector<16xf32> to vector<1x16xf32>
      tpu.vector_store %arg6[%swap3A_138, %swap3A_139], %swap3A_142 {strides = array<i32>} : memref<512x64xf32, #tpu.memory_space<vmem>>, vector<1x16xf32>,
      %get3A_143 = arith.index_cast %scan3A_118 : i32 to index
      %get3A_144 = arith.constant 32 : index
      %get3A_145 = tpu.vector_load %arg6[%get3A_143, %get3A_144] {strides = array<i32>} : memref<512x64xf32, #tpu.memory_space<vmem>>, vector<1x16xf32>,
      %get3A_146 = vector.shape_cast %get3A_145 : vector<1x16xf32> to vector<16xf32>
      %mul3A_147 = arith.constant 8.000000e+00 : f32
      %mul3A_148 = vector.broadcast %mul3A_147 : f32 to vector<16xf32>
      %mul3A_149 = arith.mulf %get3A_146, %mul3A_148 : vector<16xf32>
      %swap3A_150 = arith.index_cast %scan3A_118 : i32 to index
      %swap3A_151 = arith.constant 32 : index
      %swap3A_152 = tpu.vector_load %arg6[%swap3A_150, %swap3A_151] {strides = array<i32>} : memref<512x64xf32, #tpu.memory_space<vmem>>, vector<1x16xf32>,
      %swap3A_153 = vector.shape_cast %swap3A_152 : vector<1x16xf32> to vector<16xf32>
      %swap3A_154 = vector.shape_cast %mul3A_149 : vector<16xf32> to vector<1x16xf32>
      tpu.vector_store %arg6[%swap3A_150, %swap3A_151], %swap3A_154 {strides = array<i32>} : memref<512x64xf32, #tpu.memory_space<vmem>>, vector<1x16xf32>,
      %get3A_155 = arith.index_cast %scan3A_118 : i32 to index
      %get3A_156 = arith.constant 48 : index
      %get3A_157 = tpu.vector_load %arg6[%get3A_155, %get3A_156] {strides = array<i32>} : memref<512x64xf32, #tpu.memory_space<vmem>>, vector<1x16xf32>,
      %get3A_158 = vector.shape_cast %get3A_157 : vector<1x16xf32> to vector<16xf32>
      %mul3A_159 = arith.constant 8.000000e+00 : f32
      %mul3A_160 = vector.broadcast %mul3A_159 : f32 to vector<16xf32>
      %mul3A_161 = arith.mulf %get3A_158, %mul3A_160 : vector<16xf32>
      %swap3A_162 = arith.index_cast %scan3A_118 : i32 to index
      %swap3A_163 = arith.constant 48 : index
      %swap3A_164 = tpu.vector_load %arg6[%swap3A_162, %swap3A_163] {strides = array<i32>} : memref<512x64xf32, #tpu.memory_space<vmem>>, vector<1x16xf32>,
      %swap3A_165 = vector.shape_cast %swap3A_164 : vector<1x16xf32> to vector<16xf32>
      %swap3A_166 = vector.shape_cast %mul3A_161 : vector<16xf32> to vector<1x16xf32>
      tpu.vector_store %arg6[%swap3A_162, %swap3A_163], %swap3A_166 {strides = array<i32>} : memref<512x64xf32, #tpu.memory_space<vmem>>, vector<1x16xf32>,
      %scan3A_167 = arith.constant 2 : i32
      %scan3A_168 = arith.addi %scan3A_70, %scan3A_167 : i32
      %get3A_169 = arith.index_cast %scan3A_168 : i32 to index
      %get3A_170 = arith.constant 0 : index
      %get3A_171 = tpu.vector_load %arg6[%get3A_169, %get3A_170] {strides = array<i32>} : memref<512x64xf32, #tpu.memory_space<vmem>>, vector<1x16xf32>,
      %get3A_172 = vector.shape_cast %get3A_171 : vector<1x16xf32> to vector<16xf32>
      %mul3A_173 = arith.constant 8.000000e+00 : f32
      %mul3A_174 = vector.broadcast %mul3A_173 : f32 to vector<16xf32>
      %mul3A_175 = arith.mulf %get3A_172, %mul3A_174 : vector<16xf32>
      %swap3A_176 = arith.index_cast %scan3A_168 : i32 to index
      %swap3A_177 = arith.constant 0 : index
      %swap3A_178 = tpu.vector_load %arg6[%swap3A_176, %swap3A_177] {strides = array<i32>} : memref<512x64xf32, #tpu.memory_space<vmem>>, vector<1x16xf32>,
      %swap3A_179 = vector.shape_cast %swap3A_178 : vector<1x16xf32> to vector<16xf32>
      %swap3A_180 = vector.shape_cast %mul3A_175 : vector<16xf32> to vector<1x16xf32>
      tpu.vector_store %arg6[%swap3A_176, %swap3A_177], %swap3A_180 {strides = array<i32>} : memref<512x64xf32, #tpu.memory_space<vmem>>, vector<1x16xf32>,
      %get3A_181 = arith.index_cast %scan3A_168 : i32 to index
      %get3A_182 = arith.constant 16 : index
      %get3A_183 = tpu.vector_load %arg6[%get3A_181, %get3A_182] {strides = array<i32>} : memref<512x64xf32, #tpu.memory_space<vmem>>, vector<1x16xf32>,
      %get3A_184 = vector.shape_cast %get3A_183 : vector<1x16xf32> to vector<16xf32>
      %mul3A_185 = arith.constant 8.000000e+00 : f32
      %mul3A_186 = vector.broadcast %mul3A_185 : f32 to vector<16xf32>
      %mul3A_187 = arith.mulf %get3A_184, %mul3A_186 : vector<16xf32>
      %swap3A_188 = arith.index_cast %scan3A_168 : i32 to index
      %swap3A_189 = arith.constant 16 : index
      %swap3A_190 = tpu.vector_load %arg6[%swap3A_188, %swap3A_189] {strides = array<i32>} : memref<512x64xf32, #tpu.memory_space<vmem>>, vector<1x16xf32>,
      %swap3A_191 = vector.shape_cast %swap3A_190 : vector<1x16xf32> to vector<16xf32>
      %swap3A_192 = vector.shape_cast %mul3A_187 : vector<16xf32> to vector<1x16xf32>
      tpu.vector_store %arg6[%swap3A_188, %swap3A_189], %swap3A_192 {strides = array<i32>} : memref<512x64xf32, #tpu.memory_space<vmem>>, vector<1x16xf32>,
      %get3A_193 = arith.index_cast %scan3A_168 : i32 to index
      %get3A_194 = arith.constant 32 : index
      %get3A_195 = tpu.vector_load %arg6[%get3A_193, %get3A_194] {strides = array<i32>} : memref<512x64xf32, #tpu.memory_space<vmem>>, vector<1x16xf32>,
      %get3A_196 = vector.shape_cast %get3A_195 : vector<1x16xf32> to vector<16xf32>
      %mul3A_197 = arith.constant 8.000000e+00 : f32
      %mul3A_198 = vector.broadcast %mul3A_197 : f32 to vector<16xf32>
      %mul3A_199 = arith.mulf %get3A_196, %mul3A_198 : vector<16xf32>
      %swap3A_200 = arith.index_cast %scan3A_168 : i32 to index
      %swap3A_201 = arith.constant 32 : index
      %swap3A_202 = tpu.vector_load %arg6[%swap3A_200, %swap3A_201] {strides = array<i32>} : memref<512x64xf32, #tpu.memory_space<vmem>>, vector<1x16xf32>,
      %swap3A_203 = vector.shape_cast %swap3A_202 : vector<1x16xf32> to vector<16xf32>
      %swap3A_204 = vector.shape_cast %mul3A_199 : vector<16xf32> to vector<1x16xf32>
      tpu.vector_store %arg6[%swap3A_200, %swap3A_201], %swap3A_204 {strides = array<i32>} : memref<512x64xf32, #tpu.memory_space<vmem>>, vector<1x16xf32>,
      %get3A_205 = arith.index_cast %scan3A_168 : i32 to index
      %get3A_206 = arith.constant 48 : index
      %get3A_207 = tpu.vector_load %arg6[%get3A_205, %get3A_206] {strides = array<i32>} : memref<512x64xf32, #tpu.memory_space<vmem>>, vector<1x16xf32>,
      %get3A_208 = vector.shape_cast %get3A_207 : vector<1x16xf32> to vector<16xf32>
      %mul3A_209 = arith.constant 8.000000e+00 : f32
      %mul3A_210 = vector.broadcast %mul3A_209 : f32 to vector<16xf32>
      %mul3A_211 = arith.mulf %get3A_208, %mul3A_210 : vector<16xf32>
      %swap3A_212 = arith.index_cast %scan3A_168 : i32 to index
      %swap3A_213 = arith.constant 48 : index
      %swap3A_214 = tpu.vector_load %arg6[%swap3A_212, %swap3A_213] {strides = array<i32>} : memref<512x64xf32, #tpu.memory_space<vmem>>, vector<1x16xf32>,
      %swap3A_215 = vector.shape_cast %swap3A_214 : vector<1x16xf32> to vector<16xf32>
      %swap3A_216 = vector.shape_cast %mul3A_211 : vector<16xf32> to vector<1x16xf32>
      tpu.vector_store %arg6[%swap3A_212, %swap3A_213], %swap3A_216 {strides = array<i32>} : memref<512x64xf32, #tpu.memory_space<vmem>>, vector<1x16xf32>,
      %scan3A_217 = arith.constant 3 : i32
      %scan3A_218 = arith.addi %scan3A_70, %scan3A_217 : i32
      %get3A_219 = arith.index_cast %scan3A_218 : i32 to index
      %get3A_220 = arith.constant 0 : index
      %get3A_221 = tpu.vector_load %arg6[%get3A_219, %get3A_220] {strides = array<i32>} : memref<512x64xf32, #tpu.memory_space<vmem>>, vector<1x16xf32>,
      %get3A_222 = vector.shape_cast %get3A_221 : vector<1x16xf32> to vector<16xf32>
      %mul3A_223 = arith.constant 8.000000e+00 : f32
      %mul3A_224 = vector.broadcast %mul3A_223 : f32 to vector<16xf32>
      %mul3A_225 = arith.mulf %get3A_222, %mul3A_224 : vector<16xf32>
      %swap3A_226 = arith.index_cast %scan3A_218 : i32 to index
      %swap3A_227 = arith.constant 0 : index
      %swap3A_228 = tpu.vector_load %arg6[%swap3A_226, %swap3A_227] {strides = array<i32>} : memref<512x64xf32, #tpu.memory_space<vmem>>, vector<1x16xf32>,
      %swap3A_229 = vector.shape_cast %swap3A_228 : vector<1x16xf32> to vector<16xf32>
      %swap3A_230 = vector.shape_cast %mul3A_225 : vector<16xf32> to vector<1x16xf32>
      tpu.vector_store %arg6[%swap3A_226, %swap3A_227], %swap3A_230 {strides = array<i32>} : memref<512x64xf32, #tpu.memory_space<vmem>>, vector<1x16xf32>,
      %get3A_231 = arith.index_cast %scan3A_218 : i32 to index
      %get3A_232 = arith.constant 16 : index
      %get3A_233 = tpu.vector_load %arg6[%get3A_231, %get3A_232] {strides = array<i32>} : memref<512x64xf32, #tpu.memory_space<vmem>>, vector<1x16xf32>,
      %get3A_234 = vector.shape_cast %get3A_233 : vector<1x16xf32> to vector<16xf32>
      %mul3A_235 = arith.constant 8.000000e+00 : f32
      %mul3A_236 = vector.broadcast %mul3A_235 : f32 to vector<16xf32>
      %mul3A_237 = arith.mulf %get3A_234, %mul3A_236 : vector<16xf32>
      %swap3A_238 = arith.index_cast %scan3A_218 : i32 to index
      %swap3A_239 = arith.constant 16 : index
      %swap3A_240 = tpu.vector_load %arg6[%swap3A_238, %swap3A_239] {strides = array<i32>} : memref<512x64xf32, #tpu.memory_space<vmem>>, vector<1x16xf32>,
      %swap3A_241 = vector.shape_cast %swap3A_240 : vector<1x16xf32> to vector<16xf32>
      %swap3A_242 = vector.shape_cast %mul3A_237 : vector<16xf32> to vector<1x16xf32>
      tpu.vector_store %arg6[%swap3A_238, %swap3A_239], %swap3A_242 {strides = array<i32>} : memref<512x64xf32, #tpu.memory_space<vmem>>, vector<1x16xf32>,
      %get3A_243 = arith.index_cast %scan3A_218 : i32 to index
      %get3A_244 = arith.constant 32 : index
      %get3A_245 = tpu.vector_load %arg6[%get3A_243, %get3A_244] {strides = array<i32>} : memref<512x64xf32, #tpu.memory_space<vmem>>, vector<1x16xf32>,
      %get3A_246 = vector.shape_cast %get3A_245 : vector<1x16xf32> to vector<16xf32>
      %mul3A_247 = arith.constant 8.000000e+00 : f32
      %mul3A_248 = vector.broadcast %mul3A_247 : f32 to vector<16xf32>
      %mul3A_249 = arith.mulf %get3A_246, %mul3A_248 : vector<16xf32>
      %swap3A_250 = arith.index_cast %scan3A_218 : i32 to index
      %swap3A_251 = arith.constant 32 : index
      %swap3A_252 = tpu.vector_load %arg6[%swap3A_250, %swap3A_251] {strides = array<i32>} : memref<512x64xf32, #tpu.memory_space<vmem>>, vector<1x16xf32>,
      %swap3A_253 = vector.shape_cast %swap3A_252 : vector<1x16xf32> to vector<16xf32>
      %swap3A_254 = vector.shape_cast %mul3A_249 : vector<16xf32> to vector<1x16xf32>
      tpu.vector_store %arg6[%swap3A_250, %swap3A_251], %swap3A_254 {strides = array<i32>} : memref<512x64xf32, #tpu.memory_space<vmem>>, vector<1x16xf32>,
      %get3A_255 = arith.index_cast %scan3A_218 : i32 to index
      %get3A_256 = arith.constant 48 : index
      %get3A_257 = tpu.vector_load %arg6[%get3A_255, %get3A_256] {strides = array<i32>} : memref<512x64xf32, #tpu.memory_space<vmem>>, vector<1x16xf32>,
      %get3A_258 = vector.shape_cast %get3A_257 : vector<1x16xf32> to vector<16xf32>
      %mul3A_259 = arith.constant 8.000000e+00 : f32
      %mul3A_260 = vector.broadcast %mul3A_259 : f32 to vector<16xf32>
      %mul3A_261 = arith.mulf %get3A_258, %mul3A_260 : vector<16xf32>
      %swap3A_262 = arith.index_cast %scan3A_218 : i32 to index
      %swap3A_263 = arith.constant 48 : index
      %swap3A_264 = tpu.vector_load %arg6[%swap3A_262, %swap3A_263] {strides = array<i32>} : memref<512x64xf32, #tpu.memory_space<vmem>>, vector<1x16xf32>,
      %swap3A_265 = vector.shape_cast %swap3A_264 : vector<1x16xf32> to vector<16xf32>
      %swap3A_266 = vector.shape_cast %mul3A_261 : vector<16xf32> to vector<1x16xf32>
      tpu.vector_store %arg6[%swap3A_262, %swap3A_263], %swap3A_266 {strides = array<i32>} : memref<512x64xf32, #tpu.memory_space<vmem>>, vector<1x16xf32>,
    }
    %scan3A_69 = arith.constant 512 : i32
    "tpu.region"() ({
      %run_scoped3A = tpu.sem_alloc : memref<!tpu.dma_semaphore, #tpu.memory_space<semaphore_mem>>
      %dma_start3A_70 = arith.constant 0 : i32
      %dma_start3A_71 = tpu.memref_slice %arg4[%mul3A_2, %dma_start3A_70] : memref<16384x64xf32, #tpu.memory_space<hbm>> -> memref<512x64xf32, #tpu.memory_space<hbm>>
      %dma_start3A_72 = arith.constant 0 : i32
      %dma_start3A_73 = tpu.memref_slice %arg4[%mul3A_2, %dma_start3A_72] : memref<16384x64xf32, #tpu.memory_space<hbm>> -> memref<512x64xf32, #tpu.memory_space<hbm>>
      tpu.enqueue_dma source(%arg6 : memref<512x64xf32, #tpu.memory_space<vmem>>) target(%dma_start3A_73 : memref<512x64xf32, #tpu.memory_space<hbm>>) target_semaphore(%run_scoped3A : memref<!tpu.dma_semaphore, #tpu.memory_space<semaphore_mem>>)
      %dma_wait3A_74 = arith.constant 0 : i32
      %dma_wait3A_75 = tpu.memref_slice %arg4[%mul3A_2, %dma_wait3A_74] : memref<16384x64xf32, #tpu.memory_space<hbm>> -> memref<512x64xf32, #tpu.memory_space<hbm>>
      %dma_wait3A_76 = arith.constant 0 : i32
      %dma_wait3A_77 = tpu.memref_slice %arg4[%mul3A_2, %dma_wait3A_76] : memref<16384x64xf32, #tpu.memory_space<hbm>> -> memref<512x64xf32, #tpu.memory_space<hbm>>
      tpu.wait_dma2 semaphore(%run_scoped3A : memref<!tpu.dma_semaphore, #tpu.memory_space<semaphore_mem>>) src(%arg6 : memref<512x64xf32, #tpu.memory_space<vmem>>) dst(%dma_wait3A_77 : memref<512x64xf32, #tpu.memory_space<hbm>>)
      tpu.yield
    }) : () -> ()
    return
  }
}

</mosaic_0001>

<sc_bundles>
// kernel: kernel.3.cloned.1.call-start
scs
__scs_entry_jumppad:
0x0: {  	(pc) =	sbr.rel $0x88, $3  }
0x1: {  	(tag) =	ssettag $0x0;
	lr =	simm.s32 $0x1  }
0x2: {  	[smem:$0x3F9F] =	sst lr;
	_ =	strace $0xD0000000  }
0x3: {  	_ = 	snop  }
0x4: {  	_ = 	snop  }
0x5: {  	_ = 	snop  }
0x6: {  	_ = 	snop  }
0x7: {  	_ = 	snop  }
__scs_overlays_trampoline_lowered:
0x8: {  	[smem:$0x3FAE] =	sst s0  }
0x9: {  	[smem:$0x3FAF] =	sst s1  }
0xa: {  	[smem:$0x3FB0] =	sst s2  }
0xb: {  	[smem:$0x3FB1] =	sst s3  }
0xc: {  	[smem:$0x3FB2] =	sst s4  }
0xd: {  	[smem:$0x3FB3] =	sst s5  }
0xe: {  	[smem:$0x3FB4] =	sst s6  }
0xf: {  	[smem:$0x3FB5] =	sst s7  }
0x10: {  	[smem:$0x3FB6] =	sst s8  }
0x11: {  	[smem:$0x3FB7] =	sst s9;
	s0 =	simm.s32 @!p0 $0x0  }
0x12: {  	s1 =	sld [smem:$0x3F9D];
	s0 =	simm.s32 @p0 $0x1  }
0x13: {  	[smem:$0x3FB8] =	sst s0;
	s0 =	simm.s32 @!p1 $0x0  }
0x14: {  	s2 =	sld [smem:$0x3F9C];
	s0 =	simm.s32 @p1 $0x1  }
0x15: {  	[smem:$0x3FB9] =	sst s0;
	s0 =	simm.s32 @!p2 $0x0  }
0x16: {  	s3 =	sld [smem:$0x3FDB];
	s0 =	simm.s32 @p2 $0x1  }
0x17: {  	s4 =	simm.s32 $0x1BF5;
	[smem:$0x3FBB] =	sst s0  }
0x18: {  	s0 =	sld [smem:$0x3F9E];
	_ =	swait.ge [sflag:s4], $0x0  }
0x19: {  	s7 =	sld [smem:$0x3F9F]  }
0x1a: {  	s8 =	sadd.s32 $0xFFFFE003, lr  }
0x1b: {  	s9 =	sadd.s32 $0xFFFFFEF7, lr;
	s5 =	simm.s32 $0xFFFFFFFF;
	p2 =	slt.u32 s8, $0xFFFFF086  }
0x1c: {  	p1 =	slt.u32 s9, $0xF7A;
	s5 =	simm.s32 @!p2 $0x0  }
0x1d: {  	s5 =	simm.s32 @p1 $0x1;
	p0 =	seq.s32 s7, s2  }
0x1e: {  	s7 =	smul.u32 @!p0 $0xF7A, s2;
	p2 =	seq.s32 @!p0 s5, $0x0  }
0x1f: {  	s9 =	smul.u32 $0xF7A, s1;
	s8 =	simm.s32 @!p0 $0x1BF5;
	p2 =	por !p2, p0  }
0x20: {  	[sflag:s8] =	ssyncset.s32 @!p0 $0xFFFFF086;
	s6 =	sadd.s32 @!p0 s3, s7;
	s7 =	simm.s32 @!p0 $0x108  }
0x21: {  	s3 =	sadd.s32 s3, s9;
	s6 =	sadd.s32 @!p0 $0x88, s6;
	s7 =	simm.s32 @p2 $0x1082  }
0x22: {  	[simem:s7], [sflag:s8] =	dma.local @!p0 [hbm:s6], $0xF7A  }
0x23: {  	s9 =	sor.u32 $0xD0000000, s2;
	s6 =	simm.s32 $0x108;
	_ =	swait.ge @!p0 [sflag:s8], $0x0  }
0x24: {  	s3 =	sadd.s32 $0x88, s3;
	s6 =	simm.s32 @!p1 $0x1082;
	[sflag:s4] =	ssyncset.s32 $0xFFFFF086  }
0x25: {  	[simem:s6], [sflag:s4] =	dma.local [hbm:s3], $0xF7A  }
0x26: {  	[smem:$0x3F9F] =	sst s1;
	(tag) =	ssettag s2;
	_ =	strace s9  }
0x27: {  	s1 =	sld [smem:$0x3FAF]  }
0x28: {  	s2 =	sld [smem:$0x3FB0]  }
0x29: {  	s4 =	sld [smem:$0x3FB2]  }
0x2a: {  	p0 =	seq.s32 s5, $0x0;
	s5 =	sld [smem:$0x3FB3]  }
0x2b: {  	s6 =	sld [smem:$0x3FB4]  }
0x2c: {  	s7 =	sld [smem:$0x3FB5]  }
0x2d: {  	s3 =	simm.s32 $0x108;
	s8 =	sld [smem:$0x3FB6]  }
0x2e: {  	s3 =	simm.s32 @!p0 $0x1082;
	s9 =	sld [smem:$0x3FB7]  }
0x2f: {  	lr =	sadd.s32 s0, s3;
	s0 =	sld [smem:$0x3FAE]  }
0x30: {  	s3 =	sld [smem:$0x3FB1]  }
0x31: {  	[smem:$0x3FBA] =	sst s10  }
0x32: {  	s10 =	sld [smem:$0x3FB8];
	_ =	sdelay $0x3  }
0x33: {  	p0 =	seq.s32 s10, $0x1;
	s10 =	sld [smem:$0x3FBA];
	_ =	sdelay $0x3  }
0x34: {  	[smem:$0x3FBA] =	sst s10  }
0x35: {  	s10 =	sld [smem:$0x3FB9];
	_ =	sdelay $0x3  }
0x36: {  	p1 =	seq.s32 s10, $0x1;
	s10 =	sld [smem:$0x3FBA];
	_ =	sdelay $0x3  }
0x37: {  	[smem:$0x3FBA] =	sst s10  }
0x38: {  	s10 =	sld [smem:$0x3FBB]  }
0x39: {  	_ = 	snop;
	(pc) =	sbr.ind lr, $3  }
0x3a: {  	_ = 	snop  }
0x3b: {  	_ = 	snop  }
0x3c: {  	p2 =	seq.s32 s10, $0x1;
	s10 =	sld [smem:$0x3FBA]  }
0x3d: {  	_ =	shalt  }
0x3e: {  	_ =	shalt  }
0x3f: {  	_ =	shalt  }
0x40: {  	_ =	shalt  }
0x41: {  	_ =	shalt  }
0x42: {  	_ =	shalt  }
0x43: {  	_ =	shalt  }
0x44: {  	_ =	shalt  }
0x45: {  	_ =	shalt  }
0x46: {  	_ =	shalt  }
0x47: {  	_ =	shalt  }
0x48: {  	_ =	shalt  }
0x49: {  	_ =	shalt  }
0x4a: {  	_ =	shalt  }
0x4b: {  	_ =	shalt  }
0x4c: {  	_ =	shalt  }
0x4d: {  	_ =	shalt  }
0x4e: {  	_ =	shalt  }
0x4f: {  	_ =	shalt  }
0x50: {  	_ =	shalt  }
0x51: {  	_ =	shalt  }
0x52: {  	_ =	shalt  }
0x53: {  	_ =	shalt  }
0x54: {  	_ =	shalt  }
0x55: {  	_ =	shalt  }
0x56: {  	_ =	shalt  }
0x57: {  	_ =	shalt  }
0x58: {  	_ =	shalt  }
0x59: {  	_ =	shalt  }
0x5a: {  	_ =	shalt  }
0x5b: {  	_ =	shalt  }
0x5c: {  	_ =	shalt  }
0x5d: {  	_ =	shalt  }
0x5e: {  	_ =	shalt  }
0x5f: {  	_ =	shalt  }
0x60: {  	_ =	shalt  }
0x61: {  	_ =	shalt  }
0x62: {  	_ =	shalt  }
0x63: {  	_ =	shalt  }
0x64: {  	_ =	shalt  }
0x65: {  	_ =	shalt  }
0x66: {  	_ =	shalt  }
0x67: {  	_ =	shalt  }
0x68: {  	_ =	shalt  }
0x69: {  	_ =	shalt  }
0x6a: {  	_ =	shalt  }
0x6b: {  	_ =	shalt  }
0x6c: {  	_ =	shalt  }
0x6d: {  	_ =	shalt  }
0x6e: {  	_ =	shalt  }
0x6f: {  	_ =	shalt  }
0x70: {  	_ =	shalt  }
0x71: {  	_ =	shalt  }
0x72: {  	_ =	shalt  }
0x73: {  	_ =	shalt  }
0x74: {  	_ =	shalt  }
0x75: {  	_ =	shalt  }
0x76: {  	_ =	shalt  }
0x77: {  	_ =	shalt  }
0x78: {  	_ =	shalt  }
0x79: {  	_ =	shalt  }
0x7a: {  	_ =	shalt  }
0x7b: {  	_ =	shalt  }
0x7c: {  	_ =	shalt  }
0x7d: {  	_ =	shalt  }
0x7e: {  	_ =	shalt  }
0x7f: {  	_ =	shalt  }
0x80: {  	_ =	shalt  }
0x81: {  	_ =	shalt  }
0x82: {  	_ =	shalt  }
0x83: {  	_ =	shalt  }
0x84: {  	_ =	shalt  }
0x85: {  	_ =	shalt  }
0x86: {  	_ =	shalt  }
0x87: {  	_ =	shalt  }
.Lfunc_end0:
.L_simem_size_0:
called_computation_lowered:
.L_overlay_start_0:
0x88: {  	s2 =	sld [smem:$0x3FD9]  }
0x89: {  	s3 =	sld [smem:$0x3FFE];
	_ =	sdelay $0x1  }
0x8a: {  	s1 =	srdreg.scid  }
0x8b: {  	s0 =	sand.u32 $0x1, s1  }
0x8c: {  	s17 =	sshll.u32 s0, $0xA;
	s2 =	sadd.s32 s3, s2  }
0x8d: {  	s2 =	sadd.s32 s2, s17  }
0x8e: {  	[smem:$0x3FC6] =	sst s2  }
0x8f: {  	_ = 	snop  }
0x90: {  	s2 =	sld [smem:$0x3FC9]  }
0x91: {  	s18 =	sld [smem:$0x3FD0];
	(tm) =	ssettm $0x1  }
0x92: {  	s4 =	sld [smem:$0x3FFB];
	_ =	sdelay $0x3  }
0x93: {  	_ =	strace s4  }
0x94: {  	s4 =	sld [smem:$0x3FFC];
	_ =	sdelay $0x3  }
0x95: {  	_ =	strace s4  }
0x96: {  	s4 =	sld [smem:$0x3FFD];
	_ =	sdelay $0x3  }
0x97: {  	_ =	strace s4  }
0x98: {  	_ =	strace $0x8FFFFFFF  }
0x99: {  	s19 =	sld [smem:$0x3FDB];
	_ =	sdelay $0x1  }
0x9a: {  	s5 =	simm.s32 $_scs_section_size  }
0x9b: {  	s6 =	simm.s32 $_size__tile_overlayer_lowered;
	s7 =	simm.s32 $_tile_overlayer_lowered  }
0x9c: {  	s22 =	simm.s32 $0x1BFF;
	s21 =	sshll.u32 s7, $0x1;
	s4 =	sadd.s32 s5, s19  }
0x9d: {  	s8 =	simm.s32 $0x0;
	s20 =	sshll.u32 s6, $0x1;
	s6 =	sadd.s32 s21, s4  }
0x9e: {  	[timem:s8], [sflag:s22] =	dma.local [hbm:s6], s20  }
0x9f: {  	_ =	swait.ge [sflag:s22], s20  }
0xa0: {  	s5 =	ssub.s32 $0x0, s20;
	[sflag:s22] =	ssyncset.done $0x0  }
0xa1: {  	[sflag:s22] =	ssyncadd.s32 s5;
	_ =	sdelay $0x1  }
0xa2: {  	s23 =	simm.s32 $0x1B8B  }
0xa3: {  	_ =	swait.ge [sflag:s23], $0x1  }
0xa4: {  	[sflag:s23] =	ssyncset.done $0x0  }
0xa5: {  	s25 =	simm.s32 $0x1B8E;
	s24 =	sld [smem:$0x3FFE];
	[sflag:s23] =	ssyncadd.s32 $0xFFFFFFFF  }
0xa6: {  	s26 =	simm.s32 $execute0_lowered;
	[smem:$0x3FD2] =	sst s25  }
0xa7: {  	s6 =	sshll.u32 s26, $0x1;
	_ =	strace $0x80000046;
	[dreg:$0x1] =	wrdreg $0xFFFFFFFF  }
0xa8: {  	s28 =	simm.s32 $_size_execute0_lowered;
	s4 =	sadd.s32 s4, s6;
	[dreg:$0x0] =	wrdreg $0x0  }
0xa9: {  	s6 =	sshll.u32 s28, $0x1;
	[dreg:$0x2] =	wrdreg s4  }
0xaa: {  	[dreg:$0x3] =	wrdreg s6  }
0xab: {  	[dreg:$0x4] =	wrdreg $0xC0  }
0xac: {  	_ =	task [dreg:s8], $0x5FFFF  }
0xad: {  	[dreg:$0x1] =	wrdreg $0xFFFFFFFF  }
0xae: {  	[dreg:$0x0] =	wrdreg $0x60  }
0xaf: {  	[dreg:$0x2] =	wrdreg s24  }
0xb0: {  	[dreg:$0x3] =	wrdreg s2  }
0xb1: {  	[dreg:$0x4] =	wrdreg s18  }
0xb2: {  	[dreg:$0x5] =	wrdreg $0x9  }
0xb3: {  	_ =	task.clear_ibuf [dreg:s8], $0x6FFFF;
	_ =	strace $0x90000046  }
0xb4: {  	s29 =	simm.s32 $0x9;
	_ =	strace $0x80000048  }
0xb5: {  	_ =	swait.ge [sflag:s29], $0x1  }
0xb6: {  	[sflag:s29] =	ssyncadd.s32 $0xFFFFFFFF  }
0xb7: {  	_ =	strace $0x90000048  }
0xb8: {  	_ =	sfence  }
0xb9: {  	s30 =	sld [smem:$0x0];
	_ =	sdelay $0x2  }
0xba: {  	s31 =	sshll.u32 s1, $0xD;
	s1 =	sshrl.u32 s1, $0x2  }
0xbb: {  	s3 =	sand.u32 $0x4000, s31;
	s1 =	sadd.s32 s1, s30  }
0xbc: {  	s0 =	sor.u32 s3, s0;
	s1 =	sshll.u32 s1, $0x11  }
0xbd: {  	s0 =	sor.u32 s1, s0  }
0xbe: {  	s0 =	sadd.s32 $0x8F2B, s0  }
0xbf: {  	[sflag:s0] =	ssyncadd.remote.s32 $0x1  }
0xc0: {  	_ =	sfence.sel $0xFFFF  }
0xc1: {  	[dreg:$0x0] =	wrdreg $0xFFFFFFFF;
	(pc) =	sbr.abs _section_cstart, $3  }
0xc2: {  	[dreg:$0x1] =	wrdreg $0xFFFFFFFF  }
0xc3: {  	_ =	task.clear_ibuf [dreg:s8], $0x2FFFF;
	_ =	strace $0x9FFFFFFF  }
0xc4: {  	(tm) =	ssettm $0x7FFFFFFF  }
0xc5: {  	_ =	shalt  }
tec
execute0_lowered:
.L_overlay_start_1:
0x0: {  	(tag) =	ssettag $0x1  }
0x1: {  	s3 =	rddreg [dreg:$0x0]  }
0x2: {  	s4 =	rddreg [dreg:$0x1]  }
0x3: {  	s5 =	rddreg [dreg:$0x2]  }
0x4: {  	s0 =	rddreg [dreg:$0x3];
	s6 =	srdreg.scid  }
0x5: {  	s2 =	simm.s32 $0x0;
	s1 =	stileid.u32;
	s10 =	simm.s32 $0x2200  }
0x6: {  	s11 =	simm.s32 $0x100;
	s12 =	simm.s32 $0x4200;
	s13 =	simm.s32 $0x180  }
0x7: {  	s14 =	simm.s32 $0x6200;
	s15 =	simm.s32 $0x1;
	s16 =	simm.s32 $0x0  }
0x8: {  	s6 =	sand.u32 $0x1, s6;
	[smem:$0x7FF] =	sst s2;
	s7 =	sshll.u32 s1, $0xA  }
0x9: {  	s3 =	sadd.s32 $0xF42800, s3;
	s8 =	sshll.u32 s6, $0x9;
	s6 =	ssub.s32 $0x2, s6  }
0xa: {  	_ =	strace $0x80000047;
	s7 =	sor.u32 s8, s7;
	s31 =	sshrl.u32 s6, $0x1  }
0xb: {  	s8 =	simm.s32 $0x80;
	s9 =	sshrl.u32 s7, $0x3;
	s7 =	sshll.u32 s7, $0x3  }
0xc: {  	s6 =	ssub.s32 s6, s31;
	s4 =	sadd.s32 s4, s9;
	s5 =	sadd.s32 s5, s7  }
0xd: {  	s6 =	smax.u32 s6, $0x1;
	s7 =	simm.s32 $0x2;
	s9 =	simm.s32 $0x200  }
.LBB2_1:
0xe: {  	[tilespmem:s2], [sflag:$0x2] =	stream.linear.gather [hbm4b:s4+s2], $0x200, $0x38;
	[tilespmem:$0x8200] =	vst v63  }
0xf: {  	_ =	swait.ge [sflag:s7], $0x200  }
0x10: {  	[sflag:s7] =	ssyncset.done $0x0  }
0x11: {  	[sflag:s7] =	ssyncadd.s32 $0xFFFFFE00  }
0x12: {  	[tilespmem:s9], [sflag:$0x1] =	stream.indirect.gather [hbm4b:s3+s8], $0x40, s2, s8, $0xb8;
	[tilespmem:$0x8200] =	vst v63  }
0x13: {  	_ = 	snop  }
0x14: {  	[tilespmem:s10], [sflag:$0x1] =	stream.indirect.gather [hbm4b:s3+s8], $0x40, s8, s8, $0xb8;
	[tilespmem:$0x8200] =	vst v63  }
0x15: {  	_ = 	snop  }
0x16: {  	[tilespmem:s12], [sflag:$0x1] =	stream.indirect.gather [hbm4b:s3+s8], $0x40, s11, s8, $0xb8;
	[tilespmem:$0x8200] =	vst v63  }
0x17: {  	_ = 	snop  }
0x18: {  	[tilespmem:s14], [sflag:$0x1] =	stream.indirect.gather [hbm4b:s3+s8], $0x40, s13, s8, $0xb8;
	[tilespmem:$0x8200] =	vst v63  }
0x19: {  	_ =	swait.ge [sflag:s15], $0x2000  }
0x1a: {  	[sflag:s15] =	ssyncset.done $0x0  }
0x1b: {  	[sflag:s15] =	ssyncadd.s32 $0xFFFFE000  }
0x1c: {  	_ =	swait.ge [sflag:s15], $0x2000  }
0x1d: {  	[sflag:s15] =	ssyncset.done $0x0  }
0x1e: {  	[sflag:s15] =	ssyncadd.s32 $0xFFFFE000  }
0x1f: {  	_ =	swait.ge [sflag:s15], $0x2000  }
0x20: {  	[sflag:s15] =	ssyncset.done $0x0  }
0x21: {  	[sflag:s15] =	ssyncadd.s32 $0xFFFFE000  }
0x22: {  	_ =	swait.ge [sflag:s15], $0x2000  }
0x23: {  	[sflag:s15] =	ssyncset.done $0x0  }
0x24: {  	s17 =	simm.s32 $0x280;
	[sflag:s15] =	ssyncadd.s32 $0xFFFFE000  }
0x25: {  	v0 =	vld [tilespmem:s17+$0xFFFFFF80]  }
0x26: {  	v1 =	vld [tilespmem:s17+$0xFFFFFF90]  }
0x27: {  	v2 =	vld [tilespmem:s17+$0xFFFFFFA0]  }
0x28: {  	v3 =	vld [tilespmem:s17+$0xFFFFFFB0]  }
0x29: {  	v4 =	vld [tilespmem:s17+$0xFFFFFFC0]  }
0x2a: {  	v5 =	vld [tilespmem:s17+$0xFFFFFFD0];
	v0 =	vmul.f32 $8.000000000e+00, v0  }
0x2b: {  	v6 =	vld [tilespmem:s17+$0xFFFFFFE0];
	v1 =	vmul.f32 $8.000000000e+00, v1  }
0x2c: {  	[tilespmem:s17+$0xFFFFFF80] =	vst v0;
	v0 =	vmul.f32 $8.000000000e+00, v2;
	v2 =	vld [tilespmem:s17+$0x0]  }
0x2d: {  	[tilespmem:s17+$0xFFFFFF90] =	vst v1;
	v1 =	vmul.f32 $8.000000000e+00, v3;
	v3 =	vld [tilespmem:s17+$0x10]  }
0x2e: {  	[tilespmem:s17+$0xFFFFFFA0] =	vst v0;
	v0 =	vmul.f32 $8.000000000e+00, v4;
	v4 =	vld [tilespmem:s17+$0x20]  }
0x2f: {  	v7 =	vld [tilespmem:s17+$0x30];
	[tilespmem:s17+$0xFFFFFFB0] =	vst v1;
	v1 =	vmul.f32 $8.000000000e+00, v5  }
0x30: {  	v5 =	vmul.f32 $8.000000000e+00, v6;
	[tilespmem:s17+$0xFFFFFFC0] =	vst v0;
	v0 =	vld [tilespmem:s17+$0x40]  }
0x31: {  	[tilespmem:s17+$0xFFFFFFD0] =	vst v1;
	v1 =	vld [tilespmem:s17+$0x50];
	v2 =	vmul.f32 $8.000000000e+00, v2  }
0x32: {  	[tilespmem:s17+$0xFFFFFFE0] =	vst v5;
	v6 =	vmul.f32 $8.000000000e+00, v3;
	v3 =	vld [tilespmem:s17+$0x60]  }
0x33: {  	[tilespmem:s17+$0x0] =	vst v2;
	v5 =	vmul.f32 $8.000000000e+00, v4;
	v4 =	vld [tilespmem:s17+$0x70]  }
0x34: {  	s18 =	simm.s32 $0x0;
	s19 =	simm.s32 $0x380;
	v2 =	vld [tilespmem:s17+$0xFFFFFFF0];
	[tilespmem:s17+$0x10] =	vst v6;
	v6 =	vmul.f32 $8.000000000e+00, v7  }
.LBB2_2:
0x35: {  	v7 =	vld [tilespmem:s19+$0xFFFFFF80];
	[tilespmem:s17+$0x20] =	vst v5;
	v0 =	vmul.f32 $8.000000000e+00, v0  }
0x36: {  	v5 =	vld [tilespmem:s19+$0xFFFFFF90];
	[tilespmem:s17+$0x30] =	vst v6;
	v1 =	vmul.f32 $8.000000000e+00, v1  }
0x37: {  	v6 =	vld [tilespmem:s19+$0xFFFFFFA0];
	[tilespmem:s17+$0x40] =	vst v0;
	v0 =	vmul.f32 $8.000000000e+00, v3  }
0x38: {  	v3 =	vld [tilespmem:s19+$0xFFFFFFB0];
	[tilespmem:s17+$0x50] =	vst v1;
	v1 =	vmul.f32 $8.000000000e+00, v4  }
0x39: {  	v4 =	vld [tilespmem:s19+$0xFFFFFFC0];
	v2 =	vmul.f32 $8.000000000e+00, v2;
	[tilespmem:s17+$0x60] =	vst v0  }
0x3a: {  	v0 =	vmul.f32 $8.000000000e+00, v7;
	v7 =	vld [tilespmem:s19+$0xFFFFFFD0];
	[tilespmem:s17+$0x70] =	vst v1  }
0x3b: {  	v1 =	vmul.f32 $8.000000000e+00, v5;
	v5 =	vld [tilespmem:s19+$0xFFFFFFE0];
	[tilespmem:s17+$0xFFFFFFF0] =	vst v2;
	s17 =	smov.u32 s19  }
0x3c: {  	[tilespmem:s19+$0xFFFFFF80] =	vst v0;
	v0 =	vmul.f32 $8.000000000e+00, v6;
	v2 =	vld [tilespmem:s19+$0x0]  }
0x3d: {  	[tilespmem:s19+$0xFFFFFF90] =	vst v1;
	v1 =	vmul.f32 $8.000000000e+00, v3;
	v3 =	vld [tilespmem:s19+$0x10]  }
0x3e: {  	s18 =	sadd.s32 $0x4, s18;
	[tilespmem:s19+$0xFFFFFFA0] =	vst v0;
	v0 =	vmul.f32 $8.000000000e+00, v4;
	v4 =	vld [tilespmem:s19+$0x20]  }
0x3f: {  	p0 =	slt.u32 s18, $0x1FC;
	[tilespmem:s19+$0xFFFFFFB0] =	vst v1;
	v1 =	vmul.f32 $8.000000000e+00, v7;
	v6 =	vld [tilespmem:s19+$0x30]  }
.Ltmp0:
0x40: {  	[tilespmem:s19+$0xFFFFFFC0] =	vst v0;
	v5 =	vmul.f32 $8.000000000e+00, v5;
	v0 =	vld [tilespmem:s19+$0x40];
	(pc) =	sbr.rel @p0 .LBB2_2-.Ltmp0, $4  }
0x41: {  	[tilespmem:s19+$0xFFFFFFD0] =	vst v1;
	v2 =	vmul.f32 $8.000000000e+00, v2;
	v1 =	vld [tilespmem:s19+$0x50]  }
0x42: {  	[tilespmem:s19+$0xFFFFFFE0] =	vst v5;
	v7 =	vmul.f32 $8.000000000e+00, v3;
	v3 =	vld [tilespmem:s19+$0x60]  }
0x43: {  	[tilespmem:s19+$0x0] =	vst v2;
	v5 =	vmul.f32 $8.000000000e+00, v4;
	v4 =	vld [tilespmem:s19+$0x70]  }
0x44: {  	s19 =	sadd.s32 $0x100, s19;
	v2 =	vld [tilespmem:s17+$0xFFFFFFF0];
	[tilespmem:s17+$0x10] =	vst v7;
	v6 =	vmul.f32 $8.000000000e+00, v6  }
0x45: {  	[tilespmem:s17+$0x20] =	vst v5;
	v0 =	vmul.f32 $8.000000000e+00, v0  }
0x46: {  	[tilespmem:s17+$0x30] =	vst v6;
	v1 =	vmul.f32 $8.000000000e+00, v1  }
0x47: {  	[tilespmem:s17+$0x40] =	vst v0;
	v62 =	vmul.f32 $8.000000000e+00, v3  }
0x48: {  	[tilespmem:s17+$0x50] =	vst v1;
	v63 =	vmul.f32 $8.000000000e+00, v4  }
0x49: {  	s16 =	sadd.s32 $0x1, s16;
	v2 =	vmul.f32 $8.000000000e+00, v2;
	[tilespmem:s17+$0x60] =	vst v62  }
0x4a: {  	p0 =	sne.s32 s16, s6;
	[tilespmem:s17+$0x70] =	vst v63  }
.Ltmp1:
0x4b: {  	[tilespmem:s17+$0xFFFFFFF0] =	vst v2;
	(pc) =	sbr.rel @p0 .LBB2_1-.Ltmp1, $4  }
0x4c: {  	[hbm4b:s5+s2] =	stream.linear.scatter [tilespmem:s9], [sflag:$0x2], $0x8000, $0x38;
	[tilespmem:$0x8200] =	vst v63  }
0x4d: {  	_ =	swait.ge [sflag:s7], $0x8000  }
0x4e: {  	[sflag:s7] =	ssyncset.done $0x0  }
0x4f: {  	[sflag:s7] =	ssyncadd.s32 $0xFFFF8000  }
0x50: {  	_ =	sfence.sel $0x180000  }
0x51: {  	[bflag:$0x0] =	sbarrier.arrive $0xFFFF  }
0x52: {  	p0 =	sne.s32 s1, $0x0;
	_ =	strace $0x90000047  }
0x53: {  	s0 =	sadd.s32 @!p0 $0x100000, s0;
	[bflag:$0x2] =	sbarrier.arrive $0xFFFF  }
0x54: {  	[sflag:s0] =	ssyncadd.tile.s32 @!p0 $0x1;
	_ =	shalt  }
.Lfunc_end2:
_tile_overlayer_lowered:
.L_overlay_start_2:
0x55: {  	(tag) =	ssettag $0x2  }
0x56: {  	s0 =	rddreg [dreg:$0x0];
	s2 =	stileid.u32  }
0x57: {  	s1 =	rddreg [dreg:$0x1];
	p0 =	sne.s32 s2, $0x0  }
0x58: {  	s3 =	rddreg [dreg:$0x2];
	[bflag:$0x3] =	sbarrier.arrive $0xFFFF;
	s2 =	simm.s32 @!p0 $0x1C02  }
0x59: {  	[timem:s3], [sflag:s2] =	dma.local @!p0 [hbm:s0], s1  }
0x5a: {  	s0 =	simm.s32 @!p0 $0x2  }
0x5b: {  	_ =	swait.ge @!p0 [sflag:s0], s1  }
0x5c: {  	s1 =	ssub.s32 @!p0 $0x0, s1;
	[sflag:s0] =	ssyncset.done @!p0 $0x0  }
0x5d: {  	[sflag:s0] =	ssyncadd.s32 @!p0 s1  }
0x5e: {  	[bflag:$0x3] =	sbarrier.arrive $0xFFFF  }
0x5f: {  	_ =	shalt  }

</sc_bundles>
